<compile_context>
chip_gen: v7x
topology: tpu7x:2x2x1
jax: 0.10.2.dev20260603
libtpu: 0.0.44.dev20260713+nightly
codegen_flags: <defaults>
</compile_context>

<pallas_src>
import functools

import jax
import jax.numpy as jnp
from jax import lax
from jax.experimental import pallas as pl
from jax.experimental.pallas import tpu as pltpu
from jax.experimental.pallas import tpu_sc as plsc

B = 16384
EMB = 32
ROWP = 128
GPAD = 16
BLK = 2048
GRID = B // BLK

FP = 512
FGRID = 49
QS = FGRID * FP


def _fmt_body(x0_ref, x1_ref, x2_ref, x3_ref, out_ref):
    i = pl.program_id(0)
    acc = None
    for k, ref in enumerate((x0_ref, x1_ref, x2_ref, x3_ref)):
        x = ref[...]
        if k == 3:
            gcol = ((3 * FGRID + i) * FP
                    + lax.broadcasted_iota(jnp.int32, (EMB, FP), 1))
            x = jnp.where(gcol < 100001, x, 0.0)
        lane = lax.broadcasted_iota(jnp.int32, (EMB, ROWP), 1)
        row = lax.broadcasted_iota(jnp.int32, (EMB, ROWP), 0)
        eye_k = (lane == row + k * EMB).astype(jnp.float32)
        part = lax.dot_general(x, eye_k, (((0,), (0,)), ((), ())),
                               preferred_element_type=jnp.float32)
        acc = part if acc is None else acc + part
    out_ref[...] = acc


@functools.cache
def _build_fmt(interpret=False):
    def in_spec(k):
        return pl.BlockSpec((EMB, FP), lambda i, k=k: (0, k * FGRID + i))
    return pl.pallas_call(
        _fmt_body,
        grid=(FGRID,),
        in_specs=[in_spec(0), in_spec(1), in_spec(2), in_spec(3)],
        out_specs=pl.BlockSpec((FP, ROWP), lambda i: (i, 0)),
        out_shape=jax.ShapeDtypeStruct((QS, ROWP), jnp.float32),
        interpret=interpret,
    )


@functools.cache
def _build_gather():
    info = plsc.get_sparse_core_info()
    nc, ns = info.num_cores, info.num_subcores
    nw = nc * ns
    b_per_w = B // nw
    mesh = plsc.VectorSubcoreMesh(core_axis_name="c", subcore_axis_name="s")

    @functools.partial(
        pl.kernel,
        mesh=mesh,
        out_type=jax.ShapeDtypeStruct((B, ROWP), jnp.float32),
        scratch_types=[
            pltpu.VMEM((b_per_w,), jnp.int32),
            pltpu.VMEM((b_per_w, ROWP), jnp.float32),
            pltpu.SemaphoreType.DMA,
        ],
        compiler_params=pltpu.CompilerParams(use_tc_tiling_on_sc=False),
    )
    def gather(table_hbm, idx_hbm, out_hbm, idx_v, rows_v, sem):
        wid = lax.axis_index("s") * nc + lax.axis_index("c")
        base = wid * b_per_w
        pltpu.sync_copy(idx_hbm.at[pl.ds(base, b_per_w)], idx_v)
        pltpu.async_copy(table_hbm.at[idx_v], rows_v, sem).wait()
        pltpu.sync_copy(rows_v, out_hbm.at[pl.ds(base, b_per_w)])

    return gather


def _mlp_body(cid_ref, cat_ref, u_ref, gt_ref, w1_ref, b1_ref, w2_ref,
              b2_ref, w3_ref, b3_ref, out_ref):
    u4 = u_ref[...]
    cid = cid_ref[0, 0, :]
    k = ((cid >= QS).astype(jnp.int32)
         + (cid >= 2 * QS).astype(jnp.int32)
         + (cid >= 3 * QS).astype(jnp.int32))
    k2 = k[:, None]
    u01 = jnp.where(k2 == 0, u4[:, 0:EMB], u4[:, EMB:2 * EMB])
    u23 = jnp.where(k2 == 2, u4[:, 2 * EMB:3 * EMB], u4[:, 3 * EMB:])
    u = jnp.where(k2 < 2, u01, u23)
    cat = cat_ref[0, 0, :]
    col = lax.broadcasted_iota(jnp.int32, (BLK, GPAD), 1)
    onehot = (col == cat[:, None]).astype(jnp.float32)
    g = jnp.dot(onehot, gt_ref[...], preferred_element_type=jnp.float32)
    x = jnp.concatenate([u, g], axis=1)
    h = jnp.maximum(
        jnp.dot(x, w1_ref[...], preferred_element_type=jnp.float32)
        + b1_ref[...], 0.0)
    h = jnp.maximum(
        jnp.dot(h, w2_ref[...], preferred_element_type=jnp.float32)
        + b2_ref[...], 0.0)
    out = (jnp.dot(h, w3_ref[...], preferred_element_type=jnp.float32)
           + b3_ref[...])
    out_ref[...] = out.T


@functools.cache
def _build_mlp(interpret=False):
    full = lambda *shape: pl.BlockSpec(shape, lambda i: (0,) * len(shape))
    return pl.pallas_call(
        _mlp_body,
        grid=(GRID,),
        in_specs=[
            pl.BlockSpec((1, 1, BLK), lambda i: (i, 0, 0)),
            pl.BlockSpec((1, 1, BLK), lambda i: (i, 0, 0)),
            pl.BlockSpec((BLK, ROWP), lambda i: (i, 0)),
            full(GPAD, EMB),
            full(2 * EMB, 128), full(1, 128),
            full(128, 64), full(1, 64),
            full(64, EMB), full(1, EMB),
        ],
        out_specs=pl.BlockSpec((EMB, BLK), lambda i: (0, i)),
        out_shape=jax.ShapeDtypeStruct((EMB, B), jnp.float32),
        interpret=interpret,
    )


def kernel(customer_id, category_by_Gender, user_table, gender_table,
           W1, b1, W2, b2, W3, b3):
    cid = customer_id.astype(jnp.int32)
    cid3 = cid.reshape(GRID, 1, BLK)
    cat = category_by_Gender.astype(jnp.int32).reshape(GRID, 1, BLK)
    tt = user_table.T
    table_p = _build_fmt()(tt, tt, tt, tt)
    kq = ((cid >= QS).astype(jnp.int32) + (cid >= 2 * QS).astype(jnp.int32)
          + (cid >= 3 * QS).astype(jnp.int32))
    user_emb = _build_gather()(table_p, cid - kq * QS)
    gt_pad = jnp.pad(gender_table, ((0, GPAD - gender_table.shape[0]), (0, 0)))
    out_t = _build_mlp()(
        cid3, cat, user_emb, gt_pad,
        W1, b1.reshape(1, -1), W2, b2.reshape(1, -1), W3, b3.reshape(1, -1))
    return out_t.T

# --- scband reference (transcript-rebuilt; emitter-appended) ---
"""Pipeline reference for scband-query-model-2920577761298 (READ-ONLY COPY).

The authoritative reference and input builder live on the scoring server;
editing this copy changes nothing except your own understanding.
"""

import jax, jax.numpy as jnp
import numpy as np

B = 16384
USER_VOCAB = 100001
GENDER_VOCAB = 9
EMB = 32

def setup_inputs(seed: int = 0) -> dict:
    key = jax.random.key(seed)
    ks = jax.random.split(key, 12)
    customer_id = jax.random.randint(ks[0], (B,), 0, USER_VOCAB)
    category_by_Gender = jax.random.randint(ks[1], (B,), 0, GENDER_VOCAB)
    user_table = jax.random.normal(ks[2], (USER_VOCAB, EMB), dtype=jnp.float32) * 0.05
    gender_table = jax.random.normal(ks[3], (GENDER_VOCAB, EMB), dtype=jnp.float32) * 0.05
    W1 = jax.random.normal(ks[4], (2 * EMB, 128), dtype=jnp.float32) * (1.0 / np.sqrt(2 * EMB))
    b1 = jnp.zeros((128,), dtype=jnp.float32)
    W2 = jax.random.normal(ks[5], (128, 64), dtype=jnp.float32) * (1.0 / np.sqrt(128))
    b2 = jnp.zeros((64,), dtype=jnp.float32)
    W3 = jax.random.normal(ks[6], (64, 32), dtype=jnp.float32) * (1.0 / np.sqrt(64))
    b3 = jnp.zeros((32,), dtype=jnp.float32)
    return {
        'customer_id': customer_id,
        'category_by_Gender': category_by_Gender,
        'user_table': user_table,
        'gender_table': gender_table,
        'W1': W1, 'b1': b1,
        'W2': W2, 'b2': b2,
        'W3': W3, 'b3': b3,
    }

def reference(customer_id, category_by_Gender, user_table, gender_table, W1, b1, W2, b2, W3, b3):
    # UserModel: embedding lookups + concat (StringLookup replaced by integer ids)
    user_emb = jnp.take(user_table, customer_id, axis=0)
    gender_emb = jnp.take(gender_table, category_by_Gender, axis=0)
    feature_embedding = jnp.concatenate([user_emb, gender_emb], axis=1)
    # QueryModel dense tower: relu, relu, linear
    h = jax.nn.relu(feature_embedding @ W1 + b1)
    h = jax.nn.relu(h @ W2 + b2)
    out = h @ W3 + b3
    return out

if __name__ == "__main__":
    import jax
    _d = setup_inputs()
    print(jax.jit(kernel)(*tuple(_d.values())))

</pallas_src>

<mosaic_0001>
#map = affine_map<(d0, d1) -> (0, 0)>
#map1 = affine_map<(d0, d1) -> (0)>
module attributes {stable_mosaic.version = 14 : i64} {
  func.func @gather(%arg0: i32, %arg1: i32, %arg2: memref<25088x128xf32, #tpu.memory_space<hbm>>, %arg3: memref<16384xi32, #tpu.memory_space<hbm>>, %arg4: memref<16384x128xf32, #tpu.memory_space<hbm>>, %arg5: memref<512xi32, #tpu.memory_space<vmem>>, %arg6: memref<512x128xf32, #tpu.memory_space<vmem>>, %arg7: memref<!tpu.dma_semaphore, #tpu.memory_space<semaphore_mem>>) attributes {dimension_semantics = [#tpu.dimension_semantics<core_parallel>, #tpu.dimension_semantics<subcore_parallel>], iteration_bounds = array<i64: 2, 16>, scalar_prefetch = 0 : i64, scratch_operands = 3 : i64, tpu.core_type = #tpu.core_type<sc_vector_subcore>, window_params = [{transform_indices = #map}, {transform_indices = #map1}, {transform_indices = #map}]} {
    %mul3A = arith.constant 2 : i32
    %mul3A_0 = arith.muli %arg1, %mul3A : i32
    %add3A = arith.addi %mul3A_0, %arg0 : i32
    %mul3A_1 = arith.constant 512 : i32
    %mul3A_2 = arith.muli %add3A, %mul3A_1 : i32
    "tpu.region"() ({
      %run_scoped3A = tpu.sem_alloc : memref<!tpu.dma_semaphore, #tpu.memory_space<semaphore_mem>>
      %dma_start3A_7 = tpu.memref_slice %arg3[%mul3A_2] : memref<16384xi32, #tpu.memory_space<hbm>> -> memref<512xi32, #tpu.memory_space<hbm>>
      %dma_start3A_8 = tpu.memref_slice %arg3[%mul3A_2] : memref<16384xi32, #tpu.memory_space<hbm>> -> memref<512xi32, #tpu.memory_space<hbm>>
      tpu.enqueue_dma source(%dma_start3A_8 : memref<512xi32, #tpu.memory_space<hbm>>) target(%arg5 : memref<512xi32, #tpu.memory_space<vmem>>) target_semaphore(%run_scoped3A : memref<!tpu.dma_semaphore, #tpu.memory_space<semaphore_mem>>)
      %dma_wait3A_9 = tpu.memref_slice %arg3[%mul3A_2] : memref<16384xi32, #tpu.memory_space<hbm>> -> memref<512xi32, #tpu.memory_space<hbm>>
      %dma_wait3A_10 = tpu.memref_slice %arg3[%mul3A_2] : memref<16384xi32, #tpu.memory_space<hbm>> -> memref<512xi32, #tpu.memory_space<hbm>>
      tpu.wait_dma2 semaphore(%run_scoped3A : memref<!tpu.dma_semaphore, #tpu.memory_space<semaphore_mem>>) src(%dma_wait3A_10 : memref<512xi32, #tpu.memory_space<hbm>>) dst(%arg5 : memref<512xi32, #tpu.memory_space<vmem>>)
      tpu.yield
    }) : () -> ()
    %dma_start3A = arith.constant 0 : i32
    %dma_start3A_3 = arith.constant 0 : i32
    %dma_start3A_4 = tpu.memref_slice %arg2[%dma_start3A, %dma_start3A_3] : memref<25088x128xf32, #tpu.memory_space<hbm>> -> memref<25088x128xf32, #tpu.memory_space<hbm>>
    tpu.enqueue_indirect_dma source(%dma_start3A_4 : memref<25088x128xf32, #tpu.memory_space<hbm>>) target(%arg6 : memref<512x128xf32, #tpu.memory_space<vmem>>) offsets(%arg5 : memref<512xi32, #tpu.memory_space<vmem>>) semaphore(%arg7 : memref<!tpu.dma_semaphore, #tpu.memory_space<semaphore_mem>>)
    %dma_wait3A = arith.constant 0 : i32
    %dma_wait3A_5 = arith.constant 0 : i32
    %dma_wait3A_6 = tpu.memref_slice %arg2[%dma_wait3A, %dma_wait3A_5] : memref<25088x128xf32, #tpu.memory_space<hbm>> -> memref<25088x128xf32, #tpu.memory_space<hbm>>
    tpu.wait_indirect_dma semaphore(%arg7 : memref<!tpu.dma_semaphore, #tpu.memory_space<semaphore_mem>>) src(%dma_wait3A_6 : memref<25088x128xf32, #tpu.memory_space<hbm>>) dst(%arg6 : memref<512x128xf32, #tpu.memory_space<vmem>>)
    "tpu.region"() ({
      %run_scoped3A = tpu.sem_alloc : memref<!tpu.dma_semaphore, #tpu.memory_space<semaphore_mem>>
      %dma_start3A_7 = arith.constant 0 : i32
      %dma_start3A_8 = tpu.memref_slice %arg4[%mul3A_2, %dma_start3A_7] : memref<16384x128xf32, #tpu.memory_space<hbm>> -> memref<512x128xf32, #tpu.memory_space<hbm>>
      %dma_start3A_9 = arith.constant 0 : i32
      %dma_start3A_10 = tpu.memref_slice %arg4[%mul3A_2, %dma_start3A_9] : memref<16384x128xf32, #tpu.memory_space<hbm>> -> memref<512x128xf32, #tpu.memory_space<hbm>>
      tpu.enqueue_dma source(%arg6 : memref<512x128xf32, #tpu.memory_space<vmem>>) target(%dma_start3A_10 : memref<512x128xf32, #tpu.memory_space<hbm>>) target_semaphore(%run_scoped3A : memref<!tpu.dma_semaphore, #tpu.memory_space<semaphore_mem>>)
      %dma_wait3A_11 = arith.constant 0 : i32
      %dma_wait3A_12 = tpu.memref_slice %arg4[%mul3A_2, %dma_wait3A_11] : memref<16384x128xf32, #tpu.memory_space<hbm>> -> memref<512x128xf32, #tpu.memory_space<hbm>>
      %dma_wait3A_13 = arith.constant 0 : i32
      %dma_wait3A_14 = tpu.memref_slice %arg4[%mul3A_2, %dma_wait3A_13] : memref<16384x128xf32, #tpu.memory_space<hbm>> -> memref<512x128xf32, #tpu.memory_space<hbm>>
      tpu.wait_dma2 semaphore(%run_scoped3A : memref<!tpu.dma_semaphore, #tpu.memory_space<semaphore_mem>>) src(%arg6 : memref<512x128xf32, #tpu.memory_space<vmem>>) dst(%dma_wait3A_14 : memref<512x128xf32, #tpu.memory_space<hbm>>)
      tpu.yield
    }) : () -> ()
    return
  }
}

module attributes {stable_mosaic.version = 14 : i64} {
  func.func @_fmt_body(%arg0: i32, %arg1: memref<32x512xf32, #tpu.memory_space<vmem>>, %arg2: memref<32x512xf32, #tpu.memory_space<vmem>>, %arg3: memref<32x512xf32, #tpu.memory_space<vmem>>, %arg4: memref<32x512xf32, #tpu.memory_space<vmem>>, %arg5: memref<512x128xf32, #tpu.memory_space<vmem>>) attributes {dimension_semantics = [#tpu.dimension_semantics<arbitrary>], iteration_bounds = array<i64: 49>, scalar_prefetch = 0 : i64, scratch_operands = 0 : i64, tpu.core_type = #tpu.core_type<tc>, window_params = [{transform_indices = @transform_0, window_bounds = array<i64: 32, 512>}, {transform_indices = @transform_1, window_bounds = array<i64: 32, 512>}, {transform_indices = @transform_2, window_bounds = array<i64: 32, 512>}, {transform_indices = @transform_3, window_bounds = array<i64: 32, 512>}, {transform_indices = @transform_4, window_bounds = array<i64: 512, 128>}]} {
    %get3A = arith.constant 0 : index
    %get3A_0 = arith.constant 0 : index
    %get3A_1 = vector.load %arg1[%get3A, %get3A_0] : memref<32x512xf32, #tpu.memory_space<vmem>>, vector<32x512xf32>
    %iota3A = tpu.iota {dimensions = array<i32: 1>} : vector<32x128xi32>
    %iota3A_2 = tpu.iota {dimensions = array<i32: 0>} : vector<32x128xi32>
    %add3A = arith.constant 0 : i32
    %add3A_3 = vector.broadcast %add3A : i32 to vector<32x128xi32>
    %add3A_4 = arith.addi %iota3A_2, %add3A_3 : vector<32x128xi32>
    %eq3A = arith.cmpi eq, %iota3A, %add3A_4 : vector<32x128xi32>
    %convert_element_type3A = arith.extui %eq3A : vector<32x128xi1> to vector<32x128xi32>
    %convert_element_type3A_5 = arith.sitofp %convert_element_type3A : vector<32x128xi32> to vector<32x128xf32>
    %dot_general3A = arith.constant dense<0.000000e+00> : vector<512x128xf32>
    %dot_general3A_6 = tpu.matmul %get3A_1, %convert_element_type3A_5, %dot_general3A {dimension_numbers = #tpu.dot_dimension_numbers<[0], [0], [1], [1], [0, 1, 1, 1], [], []>, transpose_lhs_hint = false} : vector<32x512xf32>, vector<32x128xf32>, vector<512x128xf32> -> vector<512x128xf32>
    %get3A_7 = arith.constant 0 : index
    %get3A_8 = arith.constant 0 : index
    %get3A_9 = vector.load %arg2[%get3A_7, %get3A_8] : memref<32x512xf32, #tpu.memory_space<vmem>>, vector<32x512xf32>
    %iota3A_10 = tpu.iota {dimensions = array<i32: 1>} : vector<32x128xi32>
    %iota3A_11 = tpu.iota {dimensions = array<i32: 0>} : vector<32x128xi32>
    %add3A_12 = arith.constant 32 : i32
    %add3A_13 = vector.broadcast %add3A_12 : i32 to vector<32x128xi32>
    %add3A_14 = arith.addi %iota3A_11, %add3A_13 : vector<32x128xi32>
    %eq3A_15 = arith.cmpi eq, %iota3A_10, %add3A_14 : vector<32x128xi32>
    %convert_element_type3A_16 = arith.extui %eq3A_15 : vector<32x128xi1> to vector<32x128xi32>
    %convert_element_type3A_17 = arith.sitofp %convert_element_type3A_16 : vector<32x128xi32> to vector<32x128xf32>
    %dot_general3A_18 = arith.constant dense<0.000000e+00> : vector<512x128xf32>
    %dot_general3A_19 = tpu.matmul %get3A_9, %convert_element_type3A_17, %dot_general3A_18 {dimension_numbers = #tpu.dot_dimension_numbers<[0], [0], [1], [1], [0, 1, 1, 1], [], []>, transpose_lhs_hint = false} : vector<32x512xf32>, vector<32x128xf32>, vector<512x128xf32> -> vector<512x128xf32>
    %add3A_20 = arith.addf %dot_general3A_6, %dot_general3A_19 : vector<512x128xf32>
    %get3A_21 = arith.constant 0 : index
    %get3A_22 = arith.constant 0 : index
    %get3A_23 = vector.load %arg3[%get3A_21, %get3A_22] : memref<32x512xf32, #tpu.memory_space<vmem>>, vector<32x512xf32>
    %iota3A_24 = tpu.iota {dimensions = array<i32: 1>} : vector<32x128xi32>
    %iota3A_25 = tpu.iota {dimensions = array<i32: 0>} : vector<32x128xi32>
    %add3A_26 = arith.constant 64 : i32
    %add3A_27 = vector.broadcast %add3A_26 : i32 to vector<32x128xi32>
    %add3A_28 = arith.addi %iota3A_25, %add3A_27 : vector<32x128xi32>
    %eq3A_29 = arith.cmpi eq, %iota3A_24, %add3A_28 : vector<32x128xi32>
    %convert_element_type3A_30 = arith.extui %eq3A_29 : vector<32x128xi1> to vector<32x128xi32>
    %convert_element_type3A_31 = arith.sitofp %convert_element_type3A_30 : vector<32x128xi32> to vector<32x128xf32>
    %dot_general3A_32 = arith.constant dense<0.000000e+00> : vector<512x128xf32>
    %dot_general3A_33 = tpu.matmul %get3A_23, %convert_element_type3A_31, %dot_general3A_32 {dimension_numbers = #tpu.dot_dimension_numbers<[0], [0], [1], [1], [0, 1, 1, 1], [], []>, transpose_lhs_hint = false} : vector<32x512xf32>, vector<32x128xf32>, vector<512x128xf32> -> vector<512x128xf32>
    %add3A_34 = arith.addf %add3A_20, %dot_general3A_33 : vector<512x128xf32>
    %get3A_35 = arith.constant 0 : index
    %get3A_36 = arith.constant 0 : index
    %get3A_37 = vector.load %arg4[%get3A_35, %get3A_36] : memref<32x512xf32, #tpu.memory_space<vmem>>, vector<32x512xf32>
    %add3A_38 = arith.constant 147 : i32
    %add3A_39 = arith.addi %add3A_38, %arg0 : i32
    %mul3A = arith.constant 512 : i32
    %mul3A_40 = arith.muli %add3A_39, %mul3A : i32
    %iota3A_41 = tpu.iota {dimensions = array<i32: 1>} : vector<32x512xi32>
    %add3A_42 = vector.broadcast %mul3A_40 : i32 to vector<32x512xi32>
    %add3A_43 = arith.addi %add3A_42, %iota3A_41 : vector<32x512xi32>
    %lt3A = arith.constant 100001 : i32
    %lt3A_44 = vector.broadcast %lt3A : i32 to vector<32x512xi32>
    %lt3A_45 = arith.cmpi slt, %add3A_43, %lt3A_44 : vector<32x512xi32>
    %jit3A = arith.constant 0.000000e+00 : f32
    %broadcast_in_dim3A = vector.broadcast %jit3A : f32 to vector<32x512xf32>
    %select_n3A = arith.select %lt3A_45, %get3A_37, %broadcast_in_dim3A : vector<32x512xi1>, vector<32x512xf32>
    %iota3A_46 = tpu.iota {dimensions = array<i32: 1>} : vector<32x128xi32>
    %iota3A_47 = tpu.iota {dimensions = array<i32: 0>} : vector<32x128xi32>
    %add3A_48 = arith.constant 96 : i32
    %add3A_49 = vector.broadcast %add3A_48 : i32 to vector<32x128xi32>
    %add3A_50 = arith.addi %iota3A_47, %add3A_49 : vector<32x128xi32>
    %eq3A_51 = arith.cmpi eq, %iota3A_46, %add3A_50 : vector<32x128xi32>
    %convert_element_type3A_52 = arith.extui %eq3A_51 : vector<32x128xi1> to vector<32x128xi32>
    %convert_element_type3A_53 = arith.sitofp %convert_element_type3A_52 : vector<32x128xi32> to vector<32x128xf32>
    %dot_general3A_54 = arith.constant dense<0.000000e+00> : vector<512x128xf32>
    %dot_general3A_55 = tpu.matmul %select_n3A, %convert_element_type3A_53, %dot_general3A_54 {dimension_numbers = #tpu.dot_dimension_numbers<[0], [0], [1], [1], [0, 1, 1, 1], [], []>, transpose_lhs_hint = false} : vector<32x512xf32>, vector<32x128xf32>, vector<512x128xf32> -> vector<512x128xf32>
    %add3A_56 = arith.addf %add3A_34, %dot_general3A_55 : vector<512x128xf32>
    %swap3A = arith.constant 0 : index
    %swap3A_57 = arith.constant 0 : index
    %swap3A_58 = vector.load %arg5[%swap3A, %swap3A_57] : memref<512x128xf32, #tpu.memory_space<vmem>>, vector<512x128xf32>
    tpu.vector_store %arg5[%swap3A, %swap3A_57], %add3A_56 {strides = array<i32>} : memref<512x128xf32, #tpu.memory_space<vmem>>, vector<512x128xf32>,
    return
  }
  func.func @transform_0(%arg0: i32) -> (i32, i32) {
    %add3A = arith.constant 0 : i32
    %add3A_0 = arith.addi %add3A, %arg0 : i32
    %c0_i32 = arith.constant 0 : i32
    %c0_i32_1 = arith.constant 0 : i32
    return %c0_i32, %add3A_0 : i32, i32
  }
  func.func @transform_1(%arg0: i32) -> (i32, i32) {
    %add3A = arith.constant 49 : i32
    %add3A_0 = arith.addi %add3A, %arg0 : i32
    %c0_i32 = arith.constant 0 : i32
    %c0_i32_1 = arith.constant 0 : i32
    return %c0_i32, %add3A_0 : i32, i32
  }
  func.func @transform_2(%arg0: i32) -> (i32, i32) {
    %add3A = arith.constant 98 : i32
    %add3A_0 = arith.addi %add3A, %arg0 : i32
    %c0_i32 = arith.constant 0 : i32
    %c0_i32_1 = arith.constant 0 : i32
    return %c0_i32, %add3A_0 : i32, i32
  }
  func.func @transform_3(%arg0: i32) -> (i32, i32) {
    %add3A = arith.constant 147 : i32
    %add3A_0 = arith.addi %add3A, %arg0 : i32
    %c0_i32 = arith.constant 0 : i32
    %c0_i32_1 = arith.constant 0 : i32
    return %c0_i32, %add3A_0 : i32, i32
  }
  func.func @transform_4(%arg0: i32) -> (i32, i32) {
    %c0_i32 = arith.constant 0 : i32
    %c0_i32_0 = arith.constant 0 : i32
    return %arg0, %c0_i32 : i32, i32
  }
}

module attributes {stable_mosaic.version = 14 : i64} {
  func.func @_mlp_body(%arg0: i32, %arg1: memref<1x1x2048xi32, #tpu.memory_space<vmem>>, %arg2: memref<1x1x2048xi32, #tpu.memory_space<vmem>>, %arg3: memref<2048x128xf32, #tpu.memory_space<vmem>>, %arg4: memref<16x32xf32, #tpu.memory_space<vmem>>, %arg5: memref<64x128xf32, #tpu.memory_space<vmem>>, %arg6: memref<1x128xf32, #tpu.memory_space<vmem>>, %arg7: memref<128x64xf32, #tpu.memory_space<vmem>>, %arg8: memref<1x64xf32, #tpu.memory_space<vmem>>, %arg9: memref<64x32xf32, #tpu.memory_space<vmem>>, %arg10: memref<1x32xf32, #tpu.memory_space<vmem>>, %arg11: memref<32x2048xf32, #tpu.memory_space<vmem>>) attributes {dimension_semantics = [#tpu.dimension_semantics<arbitrary>], iteration_bounds = array<i64: 8>, scalar_prefetch = 0 : i64, scratch_operands = 0 : i64, tpu.core_type = #tpu.core_type<tc>, window_params = [{transform_indices = @transform_0, window_bounds = array<i64: 1, 1, 2048>}, {transform_indices = @transform_1, window_bounds = array<i64: 1, 1, 2048>}, {transform_indices = @transform_2, window_bounds = array<i64: 2048, 128>}, {pipeline_mode = #tpu.pipeline_mode<synchronous>, transform_indices = @transform_3, window_bounds = array<i64: 16, 32>}, {pipeline_mode = #tpu.pipeline_mode<synchronous>, transform_indices = @transform_4, window_bounds = array<i64: 64, 128>}, {pipeline_mode = #tpu.pipeline_mode<synchronous>, transform_indices = @transform_5, window_bounds = array<i64: 1, 128>}, {pipeline_mode = #tpu.pipeline_mode<synchronous>, transform_indices = @transform_6, window_bounds = array<i64: 128, 64>}, {pipeline_mode = #tpu.pipeline_mode<synchronous>, transform_indices = @transform_7, window_bounds = array<i64: 1, 64>}, {pipeline_mode = #tpu.pipeline_mode<synchronous>, transform_indices = @transform_8, window_bounds = array<i64: 64, 32>}, {pipeline_mode = #tpu.pipeline_mode<synchronous>, transform_indices = @transform_9, window_bounds = array<i64: 1, 32>}, {transform_indices = @transform_10, window_bounds = array<i64: 32, 2048>}]} {
    %get3A = arith.constant 0 : index
    %get3A_0 = arith.constant 0 : index
    %get3A_1 = vector.load %arg3[%get3A, %get3A_0] : memref<2048x128xf32, #tpu.memory_space<vmem>>, vector<2048x128xf32>
    %get3A_2 = arith.constant 0 : index
    %get3A_3 = arith.constant 0 : index
    %get3A_4 = arith.constant 0 : index
    %get3A_5 = vector.load %arg1[%get3A_2, %get3A_3, %get3A_4] : memref<1x1x2048xi32, #tpu.memory_space<vmem>>, vector<1x1x2048xi32>
    %get3A_6 = vector.shape_cast %get3A_5 : vector<1x1x2048xi32> to vector<2048xi32>
    %ge3A = arith.constant 25088 : i32
    %ge3A_7 = vector.broadcast %ge3A : i32 to vector<2048xi32>
    %ge3A_8 = arith.cmpi sge, %get3A_6, %ge3A_7 : vector<2048xi32>
    %convert_element_type3A = arith.extui %ge3A_8 : vector<2048xi1> to vector<2048xi32>
    %ge3A_9 = arith.constant 50176 : i32
    %ge3A_10 = vector.broadcast %ge3A_9 : i32 to vector<2048xi32>
    %ge3A_11 = arith.cmpi sge, %get3A_6, %ge3A_10 : vector<2048xi32>
    %convert_element_type3A_12 = arith.extui %ge3A_11 : vector<2048xi1> to vector<2048xi32>
    %add3A = arith.addi %convert_element_type3A, %convert_element_type3A_12 : vector<2048xi32>
    %ge3A_13 = arith.constant 75264 : i32
    %ge3A_14 = vector.broadcast %ge3A_13 : i32 to vector<2048xi32>
    %ge3A_15 = arith.cmpi sge, %get3A_6, %ge3A_14 : vector<2048xi32>
    %convert_element_type3A_16 = arith.extui %ge3A_15 : vector<2048xi1> to vector<2048xi32>
    %add3A_17 = arith.addi %add3A, %convert_element_type3A_16 : vector<2048xi32>
    %broadcast_in_dim3A = vector.shape_cast %add3A_17 : vector<2048xi32> to vector<2048x1xi32>
    %eq3A = arith.constant 0 : i32
    %eq3A_18 = vector.broadcast %eq3A : i32 to vector<2048x1xi32>
    %eq3A_19 = arith.cmpi eq, %broadcast_in_dim3A, %eq3A_18 : vector<2048x1xi32>
    %slice3A = vector.extract_strided_slice %get3A_1 {offsets = [0, 0], sizes = [2048, 32], strides = [1, 1]} : vector<2048x128xf32> to vector<2048x32xf32>
    %slice3A_20 = vector.extract_strided_slice %get3A_1 {offsets = [0, 32], sizes = [2048, 32], strides = [1, 1]} : vector<2048x128xf32> to vector<2048x32xf32>
    %broadcast_in_dim3A_21 = vector.shape_cast %eq3A_19 : vector<2048x1xi1> to vector<2048x1xi1>
    %broadcast_in_dim3A_22 = vector.broadcast %broadcast_in_dim3A_21 : vector<2048x1xi1> to vector<2048x32xi1>
    %select_n3A = arith.select %broadcast_in_dim3A_22, %slice3A, %slice3A_20 : vector<2048x32xi1>, vector<2048x32xf32>
    %eq3A_23 = arith.constant 2 : i32
    %eq3A_24 = vector.broadcast %eq3A_23 : i32 to vector<2048x1xi32>
    %eq3A_25 = arith.cmpi eq, %broadcast_in_dim3A, %eq3A_24 : vector<2048x1xi32>
    %slice3A_26 = vector.extract_strided_slice %get3A_1 {offsets = [0, 64], sizes = [2048, 32], strides = [1, 1]} : vector<2048x128xf32> to vector<2048x32xf32>
    %slice3A_27 = vector.extract_strided_slice %get3A_1 {offsets = [0, 96], sizes = [2048, 32], strides = [1, 1]} : vector<2048x128xf32> to vector<2048x32xf32>
    %broadcast_in_dim3A_28 = vector.shape_cast %eq3A_25 : vector<2048x1xi1> to vector<2048x1xi1>
    %broadcast_in_dim3A_29 = vector.broadcast %broadcast_in_dim3A_28 : vector<2048x1xi1> to vector<2048x32xi1>
    %select_n3A_30 = arith.select %broadcast_in_dim3A_29, %slice3A_26, %slice3A_27 : vector<2048x32xi1>, vector<2048x32xf32>
    %lt3A = arith.constant 2 : i32
    %lt3A_31 = vector.broadcast %lt3A : i32 to vector<2048x1xi32>
    %lt3A_32 = arith.cmpi slt, %broadcast_in_dim3A, %lt3A_31 : vector<2048x1xi32>
    %broadcast_in_dim3A_33 = vector.shape_cast %lt3A_32 : vector<2048x1xi1> to vector<2048x1xi1>
    %broadcast_in_dim3A_34 = vector.broadcast %broadcast_in_dim3A_33 : vector<2048x1xi1> to vector<2048x32xi1>
    %select_n3A_35 = arith.select %broadcast_in_dim3A_34, %select_n3A, %select_n3A_30 : vector<2048x32xi1>, vector<2048x32xf32>
    %get3A_36 = arith.constant 0 : index
    %get3A_37 = arith.constant 0 : index
    %get3A_38 = arith.constant 0 : index
    %get3A_39 = vector.load %arg2[%get3A_36, %get3A_37, %get3A_38] : memref<1x1x2048xi32, #tpu.memory_space<vmem>>, vector<1x1x2048xi32>
    %get3A_40 = vector.shape_cast %get3A_39 : vector<1x1x2048xi32> to vector<2048xi32>
    %iota3A = tpu.iota {dimensions = array<i32: 1>} : vector<2048x16xi32>
    %broadcast_in_dim3A_41 = vector.shape_cast %get3A_40 : vector<2048xi32> to vector<2048x1xi32>
    %eq3A_42 = vector.broadcast %broadcast_in_dim3A_41 : vector<2048x1xi32> to vector<2048x16xi32>
    %eq3A_43 = arith.cmpi eq, %iota3A, %eq3A_42 : vector<2048x16xi32>
    %convert_element_type3A_44 = arith.extui %eq3A_43 : vector<2048x16xi1> to vector<2048x16xi32>
    %convert_element_type3A_45 = arith.sitofp %convert_element_type3A_44 : vector<2048x16xi32> to vector<2048x16xf32>
    %get3A_46 = arith.constant 0 : index
    %get3A_47 = arith.constant 0 : index
    %get3A_48 = vector.load %arg4[%get3A_46, %get3A_47] : memref<16x32xf32, #tpu.memory_space<vmem>>, vector<16x32xf32>
    %dot_general3A = arith.constant dense<0.000000e+00> : vector<2048x32xf32>
    %dot_general3A_49 = tpu.matmul %convert_element_type3A_45, %get3A_48, %dot_general3A {dimension_numbers = #tpu.dot_dimension_numbers<[1], [0], [0], [1], [0, 0, 1, 1], [], []>, transpose_lhs_hint = false} : vector<2048x16xf32>, vector<16x32xf32>, vector<2048x32xf32> -> vector<2048x32xf32>
    %concatenate3A = tpu.concatenate %select_n3A_35, %dot_general3A_49 in 1 : vector<2048x32xf32>, vector<2048x32xf32> -> vector<2048x64xf32>
    %get3A_50 = arith.constant 0 : index
    %get3A_51 = arith.constant 0 : index
    %get3A_52 = vector.load %arg5[%get3A_50, %get3A_51] : memref<64x128xf32, #tpu.memory_space<vmem>>, vector<64x128xf32>
    %dot_general3A_53 = arith.constant dense<0.000000e+00> : vector<2048x128xf32>
    %dot_general3A_54 = tpu.matmul %concatenate3A, %get3A_52, %dot_general3A_53 {dimension_numbers = #tpu.dot_dimension_numbers<[1], [0], [0], [1], [0, 0, 1, 1], [], []>, transpose_lhs_hint = false} : vector<2048x64xf32>, vector<64x128xf32>, vector<2048x128xf32> -> vector<2048x128xf32>
    %get3A_55 = arith.constant 0 : index
    %get3A_56 = arith.constant 0 : index
    %get3A_57 = vector.load %arg6[%get3A_55, %get3A_56] : memref<1x128xf32, #tpu.memory_space<vmem>>, vector<1x128xf32>
    %add3A_58 = vector.broadcast %get3A_57 : vector<1x128xf32> to vector<2048x128xf32>
    %add3A_59 = arith.addf %dot_general3A_54, %add3A_58 : vector<2048x128xf32>
    %max3A = arith.constant 0.000000e+00 : f32
    %max3A_60 = vector.broadcast %max3A : f32 to vector<2048x128xf32>
    %max3A_61 = arith.maximumf %add3A_59, %max3A_60 : vector<2048x128xf32>
    %get3A_62 = arith.constant 0 : index
    %get3A_63 = arith.constant 0 : index
    %get3A_64 = vector.load %arg7[%get3A_62, %get3A_63] : memref<128x64xf32, #tpu.memory_space<vmem>>, vector<128x64xf32>
    %dot_general3A_65 = arith.constant dense<0.000000e+00> : vector<2048x64xf32>
    %dot_general3A_66 = tpu.matmul %max3A_61, %get3A_64, %dot_general3A_65 {dimension_numbers = #tpu.dot_dimension_numbers<[1], [0], [0], [1], [0, 0, 1, 1], [], []>, transpose_lhs_hint = false} : vector<2048x128xf32>, vector<128x64xf32>, vector<2048x64xf32> -> vector<2048x64xf32>
    %get3A_67 = arith.constant 0 : index
    %get3A_68 = arith.constant 0 : index
    %get3A_69 = vector.load %arg8[%get3A_67, %get3A_68] : memref<1x64xf32, #tpu.memory_space<vmem>>, vector<1x64xf32>
    %add3A_70 = vector.broadcast %get3A_69 : vector<1x64xf32> to vector<2048x64xf32>
    %add3A_71 = arith.addf %dot_general3A_66, %add3A_70 : vector<2048x64xf32>
    %max3A_72 = arith.constant 0.000000e+00 : f32
    %max3A_73 = vector.broadcast %max3A_72 : f32 to vector<2048x64xf32>
    %max3A_74 = arith.maximumf %add3A_71, %max3A_73 : vector<2048x64xf32>
    %get3A_75 = arith.constant 0 : index
    %get3A_76 = arith.constant 0 : index
    %get3A_77 = vector.load %arg9[%get3A_75, %get3A_76] : memref<64x32xf32, #tpu.memory_space<vmem>>, vector<64x32xf32>
    %dot_general3A_78 = arith.constant dense<0.000000e+00> : vector<2048x32xf32>
    %dot_general3A_79 = tpu.matmul %max3A_74, %get3A_77, %dot_general3A_78 {dimension_numbers = #tpu.dot_dimension_numbers<[1], [0], [0], [1], [0, 0, 1, 1], [], []>, transpose_lhs_hint = false} : vector<2048x64xf32>, vector<64x32xf32>, vector<2048x32xf32> -> vector<2048x32xf32>
    %get3A_80 = arith.constant 0 : index
    %get3A_81 = arith.constant 0 : index
    %get3A_82 = vector.load %arg10[%get3A_80, %get3A_81] : memref<1x32xf32, #tpu.memory_space<vmem>>, vector<1x32xf32>
    %add3A_83 = vector.broadcast %get3A_82 : vector<1x32xf32> to vector<2048x32xf32>
    %add3A_84 = arith.addf %dot_general3A_79, %add3A_83 : vector<2048x32xf32>
    %transpose3A = tpu.transpose %add3A_84, [1, 0] : vector<2048x32xf32> -> vector<32x2048xf32>
    %swap3A = arith.constant 0 : index
    %swap3A_85 = arith.constant 0 : index
    %swap3A_86 = vector.load %arg11[%swap3A, %swap3A_85] : memref<32x2048xf32, #tpu.memory_space<vmem>>, vector<32x2048xf32>
    tpu.vector_store %arg11[%swap3A, %swap3A_85], %transpose3A {strides = array<i32>} : memref<32x2048xf32, #tpu.memory_space<vmem>>, vector<32x2048xf32>,
    return
  }
  func.func @transform_0(%arg0: i32) -> (i32, i32, i32) {
    %c0_i32 = arith.constant 0 : i32
    %c0_i32_0 = arith.constant 0 : i32
    %c0_i32_1 = arith.constant 0 : i32
    return %arg0, %c0_i32, %c0_i32_0 : i32, i32, i32
  }
  func.func @transform_1(%arg0: i32) -> (i32, i32, i32) {
    %c0_i32 = arith.constant 0 : i32
    %c0_i32_0 = arith.constant 0 : i32
    %c0_i32_1 = arith.constant 0 : i32
    return %arg0, %c0_i32, %c0_i32_0 : i32, i32, i32
  }
  func.func @transform_2(%arg0: i32) -> (i32, i32) {
    %c0_i32 = arith.constant 0 : i32
    %c0_i32_0 = arith.constant 0 : i32
    return %arg0, %c0_i32 : i32, i32
  }
  func.func @transform_3(%arg0: i32) -> (i32, i32) {
    %c0_i32 = arith.constant 0 : i32
    %c0_i32_0 = arith.constant 0 : i32
    %c0_i32_1 = arith.constant 0 : i32
    return %c0_i32, %c0_i32_0 : i32, i32
  }
  func.func @transform_4(%arg0: i32) -> (i32, i32) {
    %c0_i32 = arith.constant 0 : i32
    %c0_i32_0 = arith.constant 0 : i32
    %c0_i32_1 = arith.constant 0 : i32
    return %c0_i32, %c0_i32_0 : i32, i32
  }
  func.func @transform_5(%arg0: i32) -> (i32, i32) {
    %c0_i32 = arith.constant 0 : i32
    %c0_i32_0 = arith.constant 0 : i32
    %c0_i32_1 = arith.constant 0 : i32
    return %c0_i32, %c0_i32_0 : i32, i32
  }
  func.func @transform_6(%arg0: i32) -> (i32, i32) {
    %c0_i32 = arith.constant 0 : i32
    %c0_i32_0 = arith.constant 0 : i32
    %c0_i32_1 = arith.constant 0 : i32
    return %c0_i32, %c0_i32_0 : i32, i32
  }
  func.func @transform_7(%arg0: i32) -> (i32, i32) {
    %c0_i32 = arith.constant 0 : i32
    %c0_i32_0 = arith.constant 0 : i32
    %c0_i32_1 = arith.constant 0 : i32
    return %c0_i32, %c0_i32_0 : i32, i32
  }
  func.func @transform_8(%arg0: i32) -> (i32, i32) {
    %c0_i32 = arith.constant 0 : i32
    %c0_i32_0 = arith.constant 0 : i32
    %c0_i32_1 = arith.constant 0 : i32
    return %c0_i32, %c0_i32_0 : i32, i32
  }
  func.func @transform_9(%arg0: i32) -> (i32, i32) {
    %c0_i32 = arith.constant 0 : i32
    %c0_i32_0 = arith.constant 0 : i32
    %c0_i32_1 = arith.constant 0 : i32
    return %c0_i32, %c0_i32_0 : i32, i32
  }
  func.func @transform_10(%arg0: i32) -> (i32, i32) {
    %c0_i32 = arith.constant 0 : i32
    %c0_i32_0 = arith.constant 0 : i32
    return %c0_i32, %arg0 : i32, i32
  }
}

</mosaic_0001>

<sc_bundles>
// kernel: kernel.5.cloned.1.call-start
scs
__scs_entry_jumppad:
0x0: {  	(pc) =	sbr.rel $0x88, $3  }
0x1: {  	(tag) =	ssettag $0x0;
	lr =	simm.s32 $0x1  }
0x2: {  	[smem:$0x3F97] =	sst lr;
	_ =	strace $0xD0000000  }
0x3: {  	_ = 	snop  }
0x4: {  	_ = 	snop  }
0x5: {  	_ = 	snop  }
0x6: {  	_ = 	snop  }
0x7: {  	_ = 	snop  }
__scs_overlays_trampoline_lowered:
0x8: {  	[smem:$0x3FA6] =	sst s0  }
0x9: {  	[smem:$0x3FA7] =	sst s1  }
0xa: {  	[smem:$0x3FA8] =	sst s2  }
0xb: {  	[smem:$0x3FA9] =	sst s3  }
0xc: {  	[smem:$0x3FAA] =	sst s4  }
0xd: {  	[smem:$0x3FAB] =	sst s5  }
0xe: {  	[smem:$0x3FAC] =	sst s6  }
0xf: {  	[smem:$0x3FAD] =	sst s7  }
0x10: {  	[smem:$0x3FAE] =	sst s8  }
0x11: {  	[smem:$0x3FAF] =	sst s9;
	s0 =	simm.s32 @!p0 $0x0  }
0x12: {  	s1 =	sld [smem:$0x3F95];
	s0 =	simm.s32 @p0 $0x1  }
0x13: {  	[smem:$0x3FB0] =	sst s0;
	s0 =	simm.s32 @!p1 $0x0  }
0x14: {  	s2 =	sld [smem:$0x3F94];
	s0 =	simm.s32 @p1 $0x1  }
0x15: {  	[smem:$0x3FB1] =	sst s0;
	s0 =	simm.s32 @!p2 $0x0  }
0x16: {  	s3 =	sld [smem:$0x3FDB];
	s0 =	simm.s32 @p2 $0x1  }
0x17: {  	s4 =	simm.s32 $0x1BF5;
	[smem:$0x3FB3] =	sst s0  }
0x18: {  	s0 =	sld [smem:$0x3F96];
	_ =	swait.ge [sflag:s4], $0x0  }
0x19: {  	s7 =	sld [smem:$0x3F97]  }
0x1a: {  	s8 =	sadd.s32 $0xFFFFE003, lr  }
0x1b: {  	s9 =	sadd.s32 $0xFFFFFEF7, lr;
	s5 =	simm.s32 $0xFFFFFFFF;
	p2 =	slt.u32 s8, $0xFFFFF086  }
0x1c: {  	p1 =	slt.u32 s9, $0xF7A;
	s5 =	simm.s32 @!p2 $0x0  }
0x1d: {  	s5 =	simm.s32 @p1 $0x1;
	p0 =	seq.s32 s7, s2  }
0x1e: {  	s7 =	smul.u32 @!p0 $0xF7A, s2;
	p2 =	seq.s32 @!p0 s5, $0x0  }
0x1f: {  	s9 =	smul.u32 $0xF7A, s1;
	s8 =	simm.s32 @!p0 $0x1BF5;
	p2 =	por !p2, p0  }
0x20: {  	[sflag:s8] =	ssyncset.s32 @!p0 $0xFFFFF086;
	s6 =	sadd.s32 @!p0 s3, s7;
	s7 =	simm.s32 @!p0 $0x108  }
0x21: {  	s3 =	sadd.s32 s3, s9;
	s6 =	sadd.s32 @!p0 $0x88, s6;
	s7 =	simm.s32 @p2 $0x1082  }
0x22: {  	[simem:s7], [sflag:s8] =	dma.local @!p0 [hbm:s6], $0xF7A  }
0x23: {  	s9 =	sor.u32 $0xD0000000, s2;
	s6 =	simm.s32 $0x108;
	_ =	swait.ge @!p0 [sflag:s8], $0x0  }
0x24: {  	s3 =	sadd.s32 $0x88, s3;
	s6 =	simm.s32 @!p1 $0x1082;
	[sflag:s4] =	ssyncset.s32 $0xFFFFF086  }
0x25: {  	[simem:s6], [sflag:s4] =	dma.local [hbm:s3], $0xF7A  }
0x26: {  	[smem:$0x3F97] =	sst s1;
	(tag) =	ssettag s2;
	_ =	strace s9  }
0x27: {  	s1 =	sld [smem:$0x3FA7]  }
0x28: {  	s2 =	sld [smem:$0x3FA8]  }
0x29: {  	s4 =	sld [smem:$0x3FAA]  }
0x2a: {  	p0 =	seq.s32 s5, $0x0;
	s5 =	sld [smem:$0x3FAB]  }
0x2b: {  	s6 =	sld [smem:$0x3FAC]  }
0x2c: {  	s7 =	sld [smem:$0x3FAD]  }
0x2d: {  	s3 =	simm.s32 $0x108;
	s8 =	sld [smem:$0x3FAE]  }
0x2e: {  	s3 =	simm.s32 @!p0 $0x1082;
	s9 =	sld [smem:$0x3FAF]  }
0x2f: {  	lr =	sadd.s32 s0, s3;
	s0 =	sld [smem:$0x3FA6]  }
0x30: {  	s3 =	sld [smem:$0x3FA9]  }
0x31: {  	[smem:$0x3FB2] =	sst s10  }
0x32: {  	s10 =	sld [smem:$0x3FB0];
	_ =	sdelay $0x3  }
0x33: {  	p0 =	seq.s32 s10, $0x1;
	s10 =	sld [smem:$0x3FB2];
	_ =	sdelay $0x3  }
0x34: {  	[smem:$0x3FB2] =	sst s10  }
0x35: {  	s10 =	sld [smem:$0x3FB1];
	_ =	sdelay $0x3  }
0x36: {  	p1 =	seq.s32 s10, $0x1;
	s10 =	sld [smem:$0x3FB2];
	_ =	sdelay $0x3  }
0x37: {  	[smem:$0x3FB2] =	sst s10  }
0x38: {  	s10 =	sld [smem:$0x3FB3]  }
0x39: {  	_ = 	snop;
	(pc) =	sbr.ind lr, $3  }
0x3a: {  	_ = 	snop  }
0x3b: {  	_ = 	snop  }
0x3c: {  	p2 =	seq.s32 s10, $0x1;
	s10 =	sld [smem:$0x3FB2]  }
0x3d: {  	_ =	shalt  }
0x3e: {  	_ =	shalt  }
0x3f: {  	_ =	shalt  }
0x40: {  	_ =	shalt  }
0x41: {  	_ =	shalt  }
0x42: {  	_ =	shalt  }
0x43: {  	_ =	shalt  }
0x44: {  	_ =	shalt  }
0x45: {  	_ =	shalt  }
0x46: {  	_ =	shalt  }
0x47: {  	_ =	shalt  }
0x48: {  	_ =	shalt  }
0x49: {  	_ =	shalt  }
0x4a: {  	_ =	shalt  }
0x4b: {  	_ =	shalt  }
0x4c: {  	_ =	shalt  }
0x4d: {  	_ =	shalt  }
0x4e: {  	_ =	shalt  }
0x4f: {  	_ =	shalt  }
0x50: {  	_ =	shalt  }
0x51: {  	_ =	shalt  }
0x52: {  	_ =	shalt  }
0x53: {  	_ =	shalt  }
0x54: {  	_ =	shalt  }
0x55: {  	_ =	shalt  }
0x56: {  	_ =	shalt  }
0x57: {  	_ =	shalt  }
0x58: {  	_ =	shalt  }
0x59: {  	_ =	shalt  }
0x5a: {  	_ =	shalt  }
0x5b: {  	_ =	shalt  }
0x5c: {  	_ =	shalt  }
0x5d: {  	_ =	shalt  }
0x5e: {  	_ =	shalt  }
0x5f: {  	_ =	shalt  }
0x60: {  	_ =	shalt  }
0x61: {  	_ =	shalt  }
0x62: {  	_ =	shalt  }
0x63: {  	_ =	shalt  }
0x64: {  	_ =	shalt  }
0x65: {  	_ =	shalt  }
0x66: {  	_ =	shalt  }
0x67: {  	_ =	shalt  }
0x68: {  	_ =	shalt  }
0x69: {  	_ =	shalt  }
0x6a: {  	_ =	shalt  }
0x6b: {  	_ =	shalt  }
0x6c: {  	_ =	shalt  }
0x6d: {  	_ =	shalt  }
0x6e: {  	_ =	shalt  }
0x6f: {  	_ =	shalt  }
0x70: {  	_ =	shalt  }
0x71: {  	_ =	shalt  }
0x72: {  	_ =	shalt  }
0x73: {  	_ =	shalt  }
0x74: {  	_ =	shalt  }
0x75: {  	_ =	shalt  }
0x76: {  	_ =	shalt  }
0x77: {  	_ =	shalt  }
0x78: {  	_ =	shalt  }
0x79: {  	_ =	shalt  }
0x7a: {  	_ =	shalt  }
0x7b: {  	_ =	shalt  }
0x7c: {  	_ =	shalt  }
0x7d: {  	_ =	shalt  }
0x7e: {  	_ =	shalt  }
0x7f: {  	_ =	shalt  }
0x80: {  	_ =	shalt  }
0x81: {  	_ =	shalt  }
0x82: {  	_ =	shalt  }
0x83: {  	_ =	shalt  }
0x84: {  	_ =	shalt  }
0x85: {  	_ =	shalt  }
0x86: {  	_ =	shalt  }
0x87: {  	_ =	shalt  }
.Lfunc_end0:
.L_simem_size_0:
called_computation_lowered:
.L_overlay_start_0:
0x88: {  	s2 =	sld [smem:$0x3FD9]  }
0x89: {  	s3 =	sld [smem:$0x3FFE];
	_ =	sdelay $0x1  }
0x8a: {  	s1 =	srdreg.scid  }
0x8b: {  	s0 =	sand.u32 $0x1, s1  }
0x8c: {  	s17 =	sshll.u32 s0, $0xA;
	s2 =	sadd.s32 s3, s2  }
0x8d: {  	s2 =	sadd.s32 s2, s17  }
0x8e: {  	[smem:$0x3FBE] =	sst s2  }
0x8f: {  	_ = 	snop  }
0x90: {  	s2 =	sld [smem:$0x3FD0];
	(tm) =	ssettm $0x1  }
0x91: {  	s18 =	sld [smem:$0x3FFB];
	_ =	sdelay $0x3  }
0x92: {  	_ =	strace s18  }
0x93: {  	s3 =	sld [smem:$0x3FFC];
	_ =	sdelay $0x3  }
0x94: {  	_ =	strace s3  }
0x95: {  	s3 =	sld [smem:$0x3FFD];
	_ =	sdelay $0x3  }
0x96: {  	_ =	strace s3  }
0x97: {  	_ =	strace $0x8FFFFFFF  }
0x98: {  	s19 =	sld [smem:$0x3FDB];
	_ =	sdelay $0x1  }
0x99: {  	s4 =	simm.s32 $_scs_section_size  }
0x9a: {  	s5 =	simm.s32 $_size__tile_overlayer_lowered;
	s6 =	simm.s32 $_tile_overlayer_lowered  }
0x9b: {  	s22 =	simm.s32 $0x1BFF;
	s21 =	sshll.u32 s6, $0x1;
	s3 =	sadd.s32 s4, s19  }
0x9c: {  	s7 =	simm.s32 $0x0;
	s20 =	sshll.u32 s5, $0x1;
	s5 =	sadd.s32 s21, s3  }
0x9d: {  	[timem:s7], [sflag:s22] =	dma.local [hbm:s5], s20  }
0x9e: {  	_ =	swait.ge [sflag:s22], s20  }
0x9f: {  	s4 =	ssub.s32 $0x0, s20;
	[sflag:s22] =	ssyncset.done $0x0  }
0xa0: {  	[sflag:s22] =	ssyncadd.s32 s4;
	_ =	sdelay $0x1  }
0xa1: {  	s23 =	simm.s32 $0x1B8B  }
0xa2: {  	_ =	swait.ge [sflag:s23], $0x1  }
0xa3: {  	[sflag:s23] =	ssyncset.done $0x0  }
0xa4: {  	s25 =	simm.s32 $0x1B8E;
	s24 =	sld [smem:$0x3FFE];
	[sflag:s23] =	ssyncadd.s32 $0xFFFFFFFF  }
0xa5: {  	s26 =	simm.s32 $execute0_lowered;
	[smem:$0x3FD2] =	sst s25  }
0xa6: {  	s5 =	sshll.u32 s26, $0x1;
	_ =	strace $0x80000046;
	[dreg:$0x1] =	wrdreg $0xFFFFFFFF  }
0xa7: {  	s28 =	simm.s32 $_size_execute0_lowered;
	s3 =	sadd.s32 s3, s5;
	[dreg:$0x0] =	wrdreg $0x0  }
0xa8: {  	s5 =	sshll.u32 s28, $0x1;
	[dreg:$0x2] =	wrdreg s3  }
0xa9: {  	[dreg:$0x3] =	wrdreg s5  }
0xaa: {  	[dreg:$0x4] =	wrdreg $0xC0  }
0xab: {  	_ =	task [dreg:s7], $0x5FFFF  }
0xac: {  	[dreg:$0x1] =	wrdreg $0xFFFFFFFF  }
0xad: {  	[dreg:$0x0] =	wrdreg $0x60  }
0xae: {  	[dreg:$0x2] =	wrdreg s24  }
0xaf: {  	[dreg:$0x3] =	wrdreg s2  }
0xb0: {  	[dreg:$0x4] =	wrdreg $0x9  }
0xb1: {  	_ =	task.clear_ibuf [dreg:s7], $0x5FFFF;
	_ =	strace $0x90000046  }
0xb2: {  	s29 =	simm.s32 $0x9;
	_ =	strace $0x80000048  }
0xb3: {  	_ =	swait.ge [sflag:s29], $0x1  }
0xb4: {  	[sflag:s29] =	ssyncadd.s32 $0xFFFFFFFF  }
0xb5: {  	_ =	strace $0x90000048  }
0xb6: {  	_ =	sfence  }
0xb7: {  	s30 =	sld [smem:$0x0];
	_ =	sdelay $0x2  }
0xb8: {  	s31 =	sshll.u32 s1, $0xD;
	s1 =	sshrl.u32 s1, $0x2  }
0xb9: {  	s3 =	sand.u32 $0x4000, s31;
	s1 =	sadd.s32 s1, s30  }
0xba: {  	s0 =	sor.u32 s3, s0;
	s1 =	sshll.u32 s1, $0x11  }
0xbb: {  	s0 =	sor.u32 s1, s0  }
0xbc: {  	s0 =	sadd.s32 $0x8F2B, s0  }
0xbd: {  	[sflag:s0] =	ssyncadd.remote.s32 $0x1  }
0xbe: {  	_ =	sfence.sel $0xFFFF  }
0xbf: {  	[dreg:$0x0] =	wrdreg $0xFFFFFFFF;
	(pc) =	sbr.abs _section_cstart, $3  }
0xc0: {  	[dreg:$0x1] =	wrdreg $0xFFFFFFFF  }
0xc1: {  	_ =	task.clear_ibuf [dreg:s7], $0x2FFFF;
	_ =	strace $0x9FFFFFFF  }
0xc2: {  	(tm) =	ssettm $0x7FFFFFFF  }
0xc3: {  	_ =	shalt  }
tec
execute0_lowered:
.L_overlay_start_1:
0x0: {  	(tag) =	ssettag $0x1  }
0x1: {  	s1 =	srdreg.scid  }
0x2: {  	s8 =	rddreg [dreg:$0x0];
	s0 =	stileid.u32  }
0x3: {  	s3 =	rddreg [dreg:$0x1];
	s2 =	simm.s32 $0x0;
	s6 =	sand.u32 $0x1, s1  }
0x4: {  	s4 =	sshll.u32 s0, $0xA;
	s1 =	rddreg [dreg:$0x2];
	s5 =	sshll.u32 s6, $0x9  }
0x5: {  	s7 =	simm.s32 $0x1;
	[smem:$0x7FF] =	sst s2;
	s9 =	sor.u32 s5, s4  }
0x6: {  	_ =	strace $0x80000047;
	s10 =	ssub.s32 $0x2, s6;
	s4 =	sshrl.u32 s9, $0x3  }
0x7: {  	s6 =	simm.s32 $0x200;
	s4 =	sadd.s32 s3, s4;
	s3 =	simm.s32 $0x2  }
0x8: {  	[tilespmem:s2], [sflag:$0x2] =	stream.linear.gather [hbm4b:s4+s2], $0x200, $0x38;
	[tilespmem:$0x10200] =	vst v63  }
0x9: {  	s5 =	sadd.s32 $0x1A00, s8;
	s11 =	sshrl.u32 s10, $0x1;
	_ =	swait.ge [sflag:s3], $0x200  }
0xa: {  	s9 =	sshll.u32 s9, $0x4;
	s31 =	ssub.s32 s10, s11;
	[sflag:s3] =	ssyncset.done $0x0  }
0xb: {  	s8 =	sadd.s32 s9, s8;
	s9 =	smax.u32 s31, $0x1;
	[sflag:s3] =	ssyncadd.s32 $0xFFFFFE00  }
0xc: {  	[tilespmem:s6], [sflag:$0x1] =	stream.indirect.gather [hbm4b:s5+s6], $0x80, s2, s6, $0xb8;
	[tilespmem:$0x10200] =	vst v63  }
0xd: {  	p0 =	sne.s32 s9, $0x1;
	_ =	swait.ge [sflag:s7], $0x10000  }
.Ltmp0:
0xe: {  	[sflag:s7] =	ssyncset.done $0x0;
	(pc) =	sbr.rel @!p0 .LBB2_2-.Ltmp0, $4  }
0xf: {  	s8 =	sadd.s32 $0x63A00, s8;
	[sflag:s7] =	ssyncadd.s32 $0xFFFF0000  }
0x10: {  	[hbm4b:s8+s2] =	stream.linear.scatter [tilespmem:s6], [sflag:$0x2], $0x10000, $0x38;
	[tilespmem:$0x10200] =	vst v63  }
0x11: {  	_ =	swait.ge [sflag:s3], $0x10000  }
0x12: {  	s9 =	sadd.s32 $0xFFFFFFFF, s9;
	[sflag:s3] =	ssyncset.done $0x0  }
.LBB2_1:
0x13: {  	p0 =	sne.s32 s9, $0x1;
	s9 =	sadd.s32 $0xFFFFFFFF, s9;
	[sflag:s3] =	ssyncadd.s32 $0xFFFF0000  }
0x14: {  	[tilespmem:s2], [sflag:$0x2] =	stream.linear.gather [hbm4b:s4+s2], $0x200, $0x38;
	[tilespmem:$0x10200] =	vst v63  }
0x15: {  	_ =	swait.ge [sflag:s3], $0x200  }
0x16: {  	[sflag:s3] =	ssyncset.done $0x0  }
0x17: {  	[sflag:s3] =	ssyncadd.s32 $0xFFFFFE00  }
0x18: {  	[tilespmem:s6], [sflag:$0x1] =	stream.indirect.gather [hbm4b:s5+s6], $0x80, s2, s6, $0xb8;
	[tilespmem:$0x10200] =	vst v63  }
0x19: {  	_ =	swait.ge [sflag:s7], $0x10000  }
.Ltmp1:
0x1a: {  	[sflag:s7] =	ssyncset.done $0x0;
	(pc) =	sbr.rel @p0 .LBB2_1-.Ltmp1, $4  }
0x1b: {  	[sflag:s7] =	ssyncadd.s32 $0xFFFF0000  }
0x1c: {  	[hbm4b:s8+s2] =	stream.linear.scatter [tilespmem:s6], [sflag:$0x2], $0x10000, $0x38;
	[tilespmem:$0x10200] =	vst v63  }
0x1d: {  	_ =	swait.ge [sflag:s3], $0x10000  }
0x1e: {  	[sflag:s3] =	ssyncset.done $0x0  }
.LBB2_2:
0x1f: {  	[sflag:s3] =	ssyncadd.s32 $0xFFFF0000  }
0x20: {  	_ =	sfence.sel $0x180000  }
0x21: {  	[bflag:$0x0] =	sbarrier.arrive $0xFFFF  }
0x22: {  	p0 =	sne.s32 s0, $0x0;
	_ =	strace $0x90000047  }
0x23: {  	s0 =	sadd.s32 @!p0 $0x100000, s1;
	[bflag:$0x2] =	sbarrier.arrive $0xFFFF  }
0x24: {  	[sflag:s0] =	ssyncadd.tile.s32 @!p0 $0x1;
	_ =	shalt  }
.Lfunc_end2:
_tile_overlayer_lowered:
.L_overlay_start_2:
0x25: {  	(tag) =	ssettag $0x2  }
0x26: {  	s0 =	rddreg [dreg:$0x0];
	s2 =	stileid.u32  }
0x27: {  	s1 =	rddreg [dreg:$0x1];
	p0 =	sne.s32 s2, $0x0  }
0x28: {  	s3 =	rddreg [dreg:$0x2];
	[bflag:$0x3] =	sbarrier.arrive $0xFFFF;
	s2 =	simm.s32 @!p0 $0x1C02  }
0x29: {  	[timem:s3], [sflag:s2] =	dma.local @!p0 [hbm:s0], s1  }
0x2a: {  	s0 =	simm.s32 @!p0 $0x2  }
0x2b: {  	_ =	swait.ge @!p0 [sflag:s0], s1  }
0x2c: {  	s1 =	ssub.s32 @!p0 $0x0, s1;
	[sflag:s0] =	ssyncset.done @!p0 $0x0  }
0x2d: {  	[sflag:s0] =	ssyncadd.s32 @!p0 s1  }
0x2e: {  	[bflag:$0x3] =	sbarrier.arrive $0xFFFF  }
0x2f: {  	_ =	shalt  }

</sc_bundles>
